<compile_context>
chip_gen: v7x
topology: tpu7x:2x2x1
jax: 0.10.2.dev20260603
libtpu: 0.0.44.dev20260713+nightly
codegen_flags: <defaults>
</compile_context>

<pallas_src>
import functools

import jax
import jax.numpy as jnp
from jax import lax
from jax.experimental import pallas as pl
from jax.experimental.pallas import tpu as pltpu
from jax.experimental.pallas import tpu_sc as plsc

_E = 320000
_D = 128
_TYPES = 512
_DELTA = 5.0
_SIGMA = 10.0

_NW = 32
_LANES = 16

_RBLK = 100
_EBLK = _RBLK * _D
_RPAD = 104
_SBLK = _RPAD * _D
_GRID = _E // _EBLK
_APAD = _GRID * _SBLK



def _sc_affine(edge_type, edge_distance, gain_table, offset_table):
    mesh = plsc.VectorSubcoreMesh(core_axis_name="c", subcore_axis_name="s")

    @functools.partial(
        pl.kernel,
        out_type=jax.ShapeDtypeStruct((_APAD,), jnp.float32),
        mesh=mesh,
        compiler_params=pltpu.CompilerParams(needs_layout_passes=False),
        scratch_types=[
            pltpu.VMEM((_EBLK,), jnp.int32),
            pltpu.VMEM((_EBLK,), jnp.float32),
            pltpu.VMEM((_EBLK,), jnp.float32),
            pltpu.VMEM((_TYPES,), jnp.float32),
            pltpu.VMEM((_TYPES,), jnp.float32),
        ],
    )
    def k(idx_hbm, x_hbm, gain_hbm, off_hbm, out_hbm,
          idx_v, x_v, a_v, gain_v, off_v):
        wid = lax.axis_index("s") * 2 + lax.axis_index("c")
        pltpu.sync_copy(gain_hbm, gain_v)
        pltpu.sync_copy(off_hbm, off_v)

        @pl.when(wid < _GRID)
        def _():
            b = wid
            pltpu.sync_copy(idx_hbm.at[pl.ds(b * _EBLK, _EBLK)], idx_v)
            pltpu.sync_copy(x_hbm.at[pl.ds(b * _EBLK, _EBLK)], x_v)

            def body(i, carry):
                sl = pl.ds(i * _LANES, _LANES)
                idx16 = idx_v[sl]
                g = plsc.load_gather(gain_v, [idx16])
                o = plsc.load_gather(off_v, [idx16])
                a_v[sl] = g * x_v[sl] + o
                return carry

            lax.fori_loop(0, _EBLK // _LANES, body, 0)
            pltpu.sync_copy(a_v, out_hbm.at[pl.ds(b * _SBLK, _EBLK)])

    return k(edge_type, edge_distance, gain_table, offset_table)


def _tc_body(a_ref, out_ref):
    s = 1.2011224087864498 / _SIGMA
    a = a_ref[0, :_RBLK, :] * s
    mu = lax.broadcasted_iota(jnp.int32, (1, 1, _D), 2).astype(jnp.float32) * (
        _DELTA / (_D - 1) * s
    )
    z = a[:, :, None] - mu
    out_ref[...] = jnp.exp2(z * z).reshape(_EBLK, _D)


def kernel(edge_type, edge_distance, gain_table, offset_table):
    a = _sc_affine(
        edge_type,
        edge_distance.reshape(_E),
        gain_table.reshape(_TYPES),
        offset_table.reshape(_TYPES),
    )
    return pl.pallas_call(
        _tc_body,
        grid=(_GRID,),
        in_specs=[pl.BlockSpec((1, _RPAD, _D), lambda i: (i, 0, 0))],
        out_specs=pl.BlockSpec((_EBLK, _D), lambda i: (i, 0)),
        out_shape=jax.ShapeDtypeStruct((_E, _D), jnp.float32),
    )(a.reshape(_GRID, _RPAD, _D))

# --- scband reference (transcript-rebuilt; emitter-appended) ---
"""Pipeline reference for scband-distance-block-73512660238474 (READ-ONLY COPY).

The authoritative reference and input builder live on the scoring server;
editing this copy changes nothing except your own understanding.
"""

import jax, jax.numpy as jnp
import numpy as np

E = 320000
D = 128
EDGE_TYPES = 512
DELTA = 5.0
SIGMA = 10.0


def setup_inputs(seed: int = 0) -> dict:
    key = jax.random.key(seed)
    k1, k2, k3, k4 = jax.random.split(key, 4)
    edge_type = jax.random.randint(k1, (E,), 0, EDGE_TYPES, dtype=jnp.int64 if jax.config.jax_enable_x64 else jnp.int32).astype(jnp.int32)
    edge_distance = jax.random.uniform(k2, (E, 1), dtype=jnp.float32)
    gain_table = jax.random.normal(k3, (EDGE_TYPES, 1), dtype=jnp.float32)
    offset_table = jax.random.normal(k4, (EDGE_TYPES, 1), dtype=jnp.float32)
    return {
        "edge_type": edge_type,
        "edge_distance": edge_distance,
        "gain_table": gain_table,
        "offset_table": offset_table,
    }


def reference(edge_type, edge_distance, gain_table, offset_table):
    # mu buffer: linspace(0, delta, D)
    mu = jnp.linspace(0.0, DELTA, D, dtype=jnp.float32)  # (D,)
    # embedding lookups (gather) -> (E, 1)
    gain = jnp.take(gain_table, edge_type, axis=0)
    offset = jnp.take(offset_table, edge_type, axis=0)
    # broadcast: (E,1)*(E,1)+(E,1)-(D,) -> (E, D)
    d = gain * edge_distance + offset - mu
    # faithful to torch: d.div_(sigma).square_().exp_()  (note: no negation in original)
    return jnp.exp(jnp.square(d / SIGMA))

if __name__ == "__main__":
    import jax
    _d = setup_inputs()
    print(jax.jit(kernel)(*tuple(_d.values())))

</pallas_src>

<mosaic_0001>
#map = affine_map<(d0, d1) -> (0)>
module attributes {stable_mosaic.version = 14 : i64} {
  func.func @k(%arg0: i32, %arg1: i32, %arg2: memref<320000xi32, #tpu.memory_space<hbm>>, %arg3: memref<320000xf32, #tpu.memory_space<hbm>>, %arg4: memref<512xf32, #tpu.memory_space<hbm>>, %arg5: memref<512xf32, #tpu.memory_space<hbm>>, %arg6: memref<332800xf32, #tpu.memory_space<hbm>>, %arg7: memref<12800xi32, #tpu.memory_space<vmem>>, %arg8: memref<12800xf32, #tpu.memory_space<vmem>>, %arg9: memref<12800xf32, #tpu.memory_space<vmem>>, %arg10: memref<512xf32, #tpu.memory_space<vmem>>, %arg11: memref<512xf32, #tpu.memory_space<vmem>>) attributes {dimension_semantics = [#tpu.dimension_semantics<core_parallel>, #tpu.dimension_semantics<subcore_parallel>], iteration_bounds = array<i64: 2, 16>, scalar_prefetch = 0 : i64, scratch_operands = 5 : i64, tpu.core_type = #tpu.core_type<sc_vector_subcore>, window_params = [{transform_indices = #map}, {transform_indices = #map}, {transform_indices = #map}, {transform_indices = #map}, {transform_indices = #map}]} {
    %mul3A = arith.constant 2 : i32
    %mul3A_0 = arith.muli %arg1, %mul3A : i32
    %add3A = arith.addi %mul3A_0, %arg0 : i32
    "tpu.region"() ({
      %run_scoped3A = tpu.sem_alloc : memref<!tpu.dma_semaphore, #tpu.memory_space<semaphore_mem>>
      tpu.enqueue_dma source(%arg4 : memref<512xf32, #tpu.memory_space<hbm>>) target(%arg10 : memref<512xf32, #tpu.memory_space<vmem>>) target_semaphore(%run_scoped3A : memref<!tpu.dma_semaphore, #tpu.memory_space<semaphore_mem>>)
      tpu.wait_dma2 semaphore(%run_scoped3A : memref<!tpu.dma_semaphore, #tpu.memory_space<semaphore_mem>>) src(%arg4 : memref<512xf32, #tpu.memory_space<hbm>>) dst(%arg10 : memref<512xf32, #tpu.memory_space<vmem>>)
      tpu.yield
    }) : () -> ()
    "tpu.region"() ({
      %run_scoped3A = tpu.sem_alloc : memref<!tpu.dma_semaphore, #tpu.memory_space<semaphore_mem>>
      tpu.enqueue_dma source(%arg5 : memref<512xf32, #tpu.memory_space<hbm>>) target(%arg11 : memref<512xf32, #tpu.memory_space<vmem>>) target_semaphore(%run_scoped3A : memref<!tpu.dma_semaphore, #tpu.memory_space<semaphore_mem>>)
      tpu.wait_dma2 semaphore(%run_scoped3A : memref<!tpu.dma_semaphore, #tpu.memory_space<semaphore_mem>>) src(%arg5 : memref<512xf32, #tpu.memory_space<hbm>>) dst(%arg11 : memref<512xf32, #tpu.memory_space<vmem>>)
      tpu.yield
    }) : () -> ()
    %lt3A = arith.constant 25 : i32
    %lt3A_1 = arith.cmpi slt, %add3A, %lt3A : i32
    %convert_element_type3A = arith.extui %lt3A_1 : i1 to i32
    %cond3A = arith.constant 0 : i32
    %cond3A_2 = arith.cmpi ne, %convert_element_type3A, %cond3A : i32
    scf.if %cond3A_2 {
      %mul3A_3 = arith.constant 12800 : i32
      %mul3A_4 = arith.muli %add3A, %mul3A_3 : i32
      "tpu.region"() ({
        %run_scoped3A = tpu.sem_alloc : memref<!tpu.dma_semaphore, #tpu.memory_space<semaphore_mem>>
        %dma_start3A = tpu.memref_slice %arg2[%mul3A_4] : memref<320000xi32, #tpu.memory_space<hbm>> -> memref<12800xi32, #tpu.memory_space<hbm>>
        %dma_start3A_14 = tpu.memref_slice %arg2[%mul3A_4] : memref<320000xi32, #tpu.memory_space<hbm>> -> memref<12800xi32, #tpu.memory_space<hbm>>
        tpu.enqueue_dma source(%dma_start3A_14 : memref<12800xi32, #tpu.memory_space<hbm>>) target(%arg7 : memref<12800xi32, #tpu.memory_space<vmem>>) target_semaphore(%run_scoped3A : memref<!tpu.dma_semaphore, #tpu.memory_space<semaphore_mem>>)
        %dma_wait3A = tpu.memref_slice %arg2[%mul3A_4] : memref<320000xi32, #tpu.memory_space<hbm>> -> memref<12800xi32, #tpu.memory_space<hbm>>
        %dma_wait3A_15 = tpu.memref_slice %arg2[%mul3A_4] : memref<320000xi32, #tpu.memory_space<hbm>> -> memref<12800xi32, #tpu.memory_space<hbm>>
        tpu.wait_dma2 semaphore(%run_scoped3A : memref<!tpu.dma_semaphore, #tpu.memory_space<semaphore_mem>>) src(%dma_wait3A_15 : memref<12800xi32, #tpu.memory_space<hbm>>) dst(%arg7 : memref<12800xi32, #tpu.memory_space<vmem>>)
        tpu.yield
      }) : () -> ()
      %mul3A_5 = arith.constant 12800 : i32
      %mul3A_6 = arith.muli %add3A, %mul3A_5 : i32
      "tpu.region"() ({
        %run_scoped3A = tpu.sem_alloc : memref<!tpu.dma_semaphore, #tpu.memory_space<semaphore_mem>>
        %dma_start3A = tpu.memref_slice %arg3[%mul3A_6] : memref<320000xf32, #tpu.memory_space<hbm>> -> memref<12800xf32, #tpu.memory_space<hbm>>
        %dma_start3A_14 = tpu.memref_slice %arg3[%mul3A_6] : memref<320000xf32, #tpu.memory_space<hbm>> -> memref<12800xf32, #tpu.memory_space<hbm>>
        tpu.enqueue_dma source(%dma_start3A_14 : memref<12800xf32, #tpu.memory_space<hbm>>) target(%arg8 : memref<12800xf32, #tpu.memory_space<vmem>>) target_semaphore(%run_scoped3A : memref<!tpu.dma_semaphore, #tpu.memory_space<semaphore_mem>>)
        %dma_wait3A = tpu.memref_slice %arg3[%mul3A_6] : memref<320000xf32, #tpu.memory_space<hbm>> -> memref<12800xf32, #tpu.memory_space<hbm>>
        %dma_wait3A_15 = tpu.memref_slice %arg3[%mul3A_6] : memref<320000xf32, #tpu.memory_space<hbm>> -> memref<12800xf32, #tpu.memory_space<hbm>>
        tpu.wait_dma2 semaphore(%run_scoped3A : memref<!tpu.dma_semaphore, #tpu.memory_space<semaphore_mem>>) src(%dma_wait3A_15 : memref<12800xf32, #tpu.memory_space<hbm>>) dst(%arg8 : memref<12800xf32, #tpu.memory_space<vmem>>)
        tpu.yield
      }) : () -> ()
      %scan3A = arith.constant 0 : i32
      %scan3A_7 = arith.constant 0 : i32
      %scan3A_8 = arith.constant 800 : i32
      %scan3A_9 = arith.addi %scan3A_7, %scan3A_8 : i32
      %scan3A_10 = arith.constant 1 : i32
      scf.for %scan3A_14 = %scan3A_7 to %scan3A_9 step %scan3A_10  : i32 {
        %mul3A_15 = arith.constant 16 : i32
        %mul3A_16 = arith.muli %scan3A_14, %mul3A_15 : i32
        %get3A = arith.index_cast %mul3A_16 : i32 to index
        %get3A_17 = tpu.vector_load %arg7[%get3A] {strides = array<i32>} : memref<12800xi32, #tpu.memory_space<vmem>>, vector<16xi32>,
        %gather3A = tpu.vector_load_idx %arg10[%get3A_17] : memref<512xf32, #tpu.memory_space<vmem>>[vector<16xi32>], vector<16xf32>,
        %gather3A_18 = tpu.vector_load_idx %arg11[%get3A_17] : memref<512xf32, #tpu.memory_space<vmem>>[vector<16xi32>], vector<16xf32>,
        %get3A_19 = arith.index_cast %mul3A_16 : i32 to index
        %get3A_20 = tpu.vector_load %arg8[%get3A_19] {strides = array<i32>} : memref<12800xf32, #tpu.memory_space<vmem>>, vector<16xf32>,
        %mul3A_21 = arith.mulf %gather3A, %get3A_20 : vector<16xf32>
        %add3A_22 = arith.addf %mul3A_21, %gather3A_18 : vector<16xf32>
        %swap3A = arith.index_cast %mul3A_16 : i32 to index
        %swap3A_23 = tpu.vector_load %arg9[%swap3A] {strides = array<i32>} : memref<12800xf32, #tpu.memory_space<vmem>>, vector<16xf32>,
        tpu.vector_store %arg9[%swap3A], %add3A_22 {strides = array<i32>} : memref<12800xf32, #tpu.memory_space<vmem>>, vector<16xf32>,
      }
      %scan3A_11 = arith.constant 800 : i32
      %mul3A_12 = arith.constant 13312 : i32
      %mul3A_13 = arith.muli %add3A, %mul3A_12 : i32
      "tpu.region"() ({
        %run_scoped3A = tpu.sem_alloc : memref<!tpu.dma_semaphore, #tpu.memory_space<semaphore_mem>>
        %dma_start3A = tpu.memref_slice %arg6[%mul3A_13] : memref<332800xf32, #tpu.memory_space<hbm>> -> memref<12800xf32, #tpu.memory_space<hbm>>
        %dma_start3A_14 = tpu.memref_slice %arg6[%mul3A_13] : memref<332800xf32, #tpu.memory_space<hbm>> -> memref<12800xf32, #tpu.memory_space<hbm>>
        tpu.enqueue_dma source(%arg9 : memref<12800xf32, #tpu.memory_space<vmem>>) target(%dma_start3A_14 : memref<12800xf32, #tpu.memory_space<hbm>>) target_semaphore(%run_scoped3A : memref<!tpu.dma_semaphore, #tpu.memory_space<semaphore_mem>>)
        %dma_wait3A = tpu.memref_slice %arg6[%mul3A_13] : memref<332800xf32, #tpu.memory_space<hbm>> -> memref<12800xf32, #tpu.memory_space<hbm>>
        %dma_wait3A_15 = tpu.memref_slice %arg6[%mul3A_13] : memref<332800xf32, #tpu.memory_space<hbm>> -> memref<12800xf32, #tpu.memory_space<hbm>>
        tpu.wait_dma2 semaphore(%run_scoped3A : memref<!tpu.dma_semaphore, #tpu.memory_space<semaphore_mem>>) src(%arg9 : memref<12800xf32, #tpu.memory_space<vmem>>) dst(%dma_wait3A_15 : memref<12800xf32, #tpu.memory_space<hbm>>)
        tpu.yield
      }) : () -> ()
    } else {
    }
    return
  }
}

module attributes {stable_mosaic.version = 14 : i64} {
  func.func @_tc_body(%arg0: i32, %arg1: memref<1x104x128xf32, #tpu.memory_space<vmem>>, %arg2: memref<12800x128xf32, #tpu.memory_space<vmem>>) attributes {dimension_semantics = [#tpu.dimension_semantics<arbitrary>], iteration_bounds = array<i64: 25>, scalar_prefetch = 0 : i64, scratch_operands = 0 : i64, tpu.core_type = #tpu.core_type<tc>, window_params = [{transform_indices = @transform_0, window_bounds = array<i64: 1, 104, 128>}, {transform_indices = @transform_1, window_bounds = array<i64: 12800, 128>}]} {
    %get3A = arith.constant 0 : index
    %get3A_0 = arith.constant 0 : index
    %get3A_1 = arith.constant 0 : index
    %get3A_2 = vector.load %arg1[%get3A, %get3A_0, %get3A_1] : memref<1x104x128xf32, #tpu.memory_space<vmem>>, vector<1x100x128xf32>
    %get3A_3 = vector.shape_cast %get3A_2 : vector<1x100x128xf32> to vector<100x128xf32>
    %mul3A = arith.constant 0.12011224 : f32
    %mul3A_4 = vector.broadcast %mul3A : f32 to vector<100x128xf32>
    %mul3A_5 = arith.mulf %get3A_3, %mul3A_4 : vector<100x128xf32>
    %iota3A = tpu.iota {dimensions = array<i32: 2>} : vector<1x1x128xi32>
    %convert_element_type3A = arith.sitofp %iota3A : vector<1x1x128xi32> to vector<1x1x128xf32>
    %mul3A_6 = arith.constant 0.00472882856 : f32
    %mul3A_7 = vector.broadcast %mul3A_6 : f32 to vector<1x1x128xf32>
    %mul3A_8 = arith.mulf %convert_element_type3A, %mul3A_7 : vector<1x1x128xf32>
    %broadcast_in_dim3A = vector.shape_cast %mul3A_5 : vector<100x128xf32> to vector<100x128x1xf32>
    %sub3A = vector.broadcast %broadcast_in_dim3A : vector<100x128x1xf32> to vector<100x128x128xf32>
    %sub3A_9 = vector.broadcast %mul3A_8 : vector<1x1x128xf32> to vector<100x128x128xf32>
    %sub3A_10 = arith.subf %sub3A, %sub3A_9 : vector<100x128x128xf32>
    %mul3A_11 = arith.mulf %sub3A_10, %sub3A_10 : vector<100x128x128xf32>
    %exp23A = math.exp2 %mul3A_11 : vector<100x128x128xf32>
    %reshape3A = vector.shape_cast %exp23A : vector<100x128x128xf32> to vector<12800x128xf32>
    %swap3A = arith.constant 0 : index
    %swap3A_12 = arith.constant 0 : index
    %swap3A_13 = vector.load %arg2[%swap3A, %swap3A_12] : memref<12800x128xf32, #tpu.memory_space<vmem>>, vector<12800x128xf32>
    tpu.vector_store %arg2[%swap3A, %swap3A_12], %reshape3A {strides = array<i32>} : memref<12800x128xf32, #tpu.memory_space<vmem>>, vector<12800x128xf32>,
    return
  }
  func.func @transform_0(%arg0: i32) -> (i32, i32, i32) {
    %c0_i32 = arith.constant 0 : i32
    %c0_i32_0 = arith.constant 0 : i32
    %c0_i32_1 = arith.constant 0 : i32
    return %arg0, %c0_i32, %c0_i32_0 : i32, i32, i32
  }
  func.func @transform_1(%arg0: i32) -> (i32, i32) {
    %c0_i32 = arith.constant 0 : i32
    %c0_i32_0 = arith.constant 0 : i32
    return %arg0, %c0_i32 : i32, i32
  }
}

</mosaic_0001>

<sc_bundles>
// kernel: kernel.4.cloned.1.call-start
scs
__scs_entry_jumppad:
0x0: {  	(pc) =	sbr.rel $0x88, $3  }
0x1: {  	(tag) =	ssettag $0x0;
	lr =	simm.s32 $0x1  }
0x2: {  	[smem:$0x3F9D] =	sst lr;
	_ =	strace $0xD0000000  }
0x3: {  	_ = 	snop  }
0x4: {  	_ = 	snop  }
0x5: {  	_ = 	snop  }
0x6: {  	_ = 	snop  }
0x7: {  	_ = 	snop  }
__scs_overlays_trampoline_lowered:
0x8: {  	[smem:$0x3FAC] =	sst s0  }
0x9: {  	[smem:$0x3FAD] =	sst s1  }
0xa: {  	[smem:$0x3FAE] =	sst s2  }
0xb: {  	[smem:$0x3FAF] =	sst s3  }
0xc: {  	[smem:$0x3FB0] =	sst s4  }
0xd: {  	[smem:$0x3FB1] =	sst s5  }
0xe: {  	[smem:$0x3FB2] =	sst s6  }
0xf: {  	[smem:$0x3FB3] =	sst s7  }
0x10: {  	[smem:$0x3FB4] =	sst s8  }
0x11: {  	[smem:$0x3FB5] =	sst s9;
	s0 =	simm.s32 @!p0 $0x0  }
0x12: {  	s1 =	sld [smem:$0x3F9B];
	s0 =	simm.s32 @p0 $0x1  }
0x13: {  	[smem:$0x3FB6] =	sst s0;
	s0 =	simm.s32 @!p1 $0x0  }
0x14: {  	s2 =	sld [smem:$0x3F9A];
	s0 =	simm.s32 @p1 $0x1  }
0x15: {  	[smem:$0x3FB7] =	sst s0;
	s0 =	simm.s32 @!p2 $0x0  }
0x16: {  	s3 =	sld [smem:$0x3FDB];
	s0 =	simm.s32 @p2 $0x1  }
0x17: {  	s4 =	simm.s32 $0x1BF5;
	[smem:$0x3FB9] =	sst s0  }
0x18: {  	s0 =	sld [smem:$0x3F9C];
	_ =	swait.ge [sflag:s4], $0x0  }
0x19: {  	s7 =	sld [smem:$0x3F9D]  }
0x1a: {  	s8 =	sadd.s32 $0xFFFFE003, lr  }
0x1b: {  	s9 =	sadd.s32 $0xFFFFFEF7, lr;
	s5 =	simm.s32 $0xFFFFFFFF;
	p2 =	slt.u32 s8, $0xFFFFF086  }
0x1c: {  	p1 =	slt.u32 s9, $0xF7A;
	s5 =	simm.s32 @!p2 $0x0  }
0x1d: {  	s5 =	simm.s32 @p1 $0x1;
	p0 =	seq.s32 s7, s2  }
0x1e: {  	s7 =	smul.u32 @!p0 $0xF7A, s2;
	p2 =	seq.s32 @!p0 s5, $0x0  }
0x1f: {  	s9 =	smul.u32 $0xF7A, s1;
	s8 =	simm.s32 @!p0 $0x1BF5;
	p2 =	por !p2, p0  }
0x20: {  	[sflag:s8] =	ssyncset.s32 @!p0 $0xFFFFF086;
	s6 =	sadd.s32 @!p0 s3, s7;
	s7 =	simm.s32 @!p0 $0x108  }
0x21: {  	s3 =	sadd.s32 s3, s9;
	s6 =	sadd.s32 @!p0 $0x88, s6;
	s7 =	simm.s32 @p2 $0x1082  }
0x22: {  	[simem:s7], [sflag:s8] =	dma.local @!p0 [hbm:s6], $0xF7A  }
0x23: {  	s9 =	sor.u32 $0xD0000000, s2;
	s6 =	simm.s32 $0x108;
	_ =	swait.ge @!p0 [sflag:s8], $0x0  }
0x24: {  	s3 =	sadd.s32 $0x88, s3;
	s6 =	simm.s32 @!p1 $0x1082;
	[sflag:s4] =	ssyncset.s32 $0xFFFFF086  }
0x25: {  	[simem:s6], [sflag:s4] =	dma.local [hbm:s3], $0xF7A  }
0x26: {  	[smem:$0x3F9D] =	sst s1;
	(tag) =	ssettag s2;
	_ =	strace s9  }
0x27: {  	s1 =	sld [smem:$0x3FAD]  }
0x28: {  	s2 =	sld [smem:$0x3FAE]  }
0x29: {  	s4 =	sld [smem:$0x3FB0]  }
0x2a: {  	p0 =	seq.s32 s5, $0x0;
	s5 =	sld [smem:$0x3FB1]  }
0x2b: {  	s6 =	sld [smem:$0x3FB2]  }
0x2c: {  	s7 =	sld [smem:$0x3FB3]  }
0x2d: {  	s3 =	simm.s32 $0x108;
	s8 =	sld [smem:$0x3FB4]  }
0x2e: {  	s3 =	simm.s32 @!p0 $0x1082;
	s9 =	sld [smem:$0x3FB5]  }
0x2f: {  	lr =	sadd.s32 s0, s3;
	s0 =	sld [smem:$0x3FAC]  }
0x30: {  	s3 =	sld [smem:$0x3FAF]  }
0x31: {  	[smem:$0x3FB8] =	sst s10  }
0x32: {  	s10 =	sld [smem:$0x3FB6];
	_ =	sdelay $0x3  }
0x33: {  	p0 =	seq.s32 s10, $0x1;
	s10 =	sld [smem:$0x3FB8];
	_ =	sdelay $0x3  }
0x34: {  	[smem:$0x3FB8] =	sst s10  }
0x35: {  	s10 =	sld [smem:$0x3FB7];
	_ =	sdelay $0x3  }
0x36: {  	p1 =	seq.s32 s10, $0x1;
	s10 =	sld [smem:$0x3FB8];
	_ =	sdelay $0x3  }
0x37: {  	[smem:$0x3FB8] =	sst s10  }
0x38: {  	s10 =	sld [smem:$0x3FB9]  }
0x39: {  	_ = 	snop;
	(pc) =	sbr.ind lr, $3  }
0x3a: {  	_ = 	snop  }
0x3b: {  	_ = 	snop  }
0x3c: {  	p2 =	seq.s32 s10, $0x1;
	s10 =	sld [smem:$0x3FB8]  }
0x3d: {  	_ =	shalt  }
0x3e: {  	_ =	shalt  }
0x3f: {  	_ =	shalt  }
0x40: {  	_ =	shalt  }
0x41: {  	_ =	shalt  }
0x42: {  	_ =	shalt  }
0x43: {  	_ =	shalt  }
0x44: {  	_ =	shalt  }
0x45: {  	_ =	shalt  }
0x46: {  	_ =	shalt  }
0x47: {  	_ =	shalt  }
0x48: {  	_ =	shalt  }
0x49: {  	_ =	shalt  }
0x4a: {  	_ =	shalt  }
0x4b: {  	_ =	shalt  }
0x4c: {  	_ =	shalt  }
0x4d: {  	_ =	shalt  }
0x4e: {  	_ =	shalt  }
0x4f: {  	_ =	shalt  }
0x50: {  	_ =	shalt  }
0x51: {  	_ =	shalt  }
0x52: {  	_ =	shalt  }
0x53: {  	_ =	shalt  }
0x54: {  	_ =	shalt  }
0x55: {  	_ =	shalt  }
0x56: {  	_ =	shalt  }
0x57: {  	_ =	shalt  }
0x58: {  	_ =	shalt  }
0x59: {  	_ =	shalt  }
0x5a: {  	_ =	shalt  }
0x5b: {  	_ =	shalt  }
0x5c: {  	_ =	shalt  }
0x5d: {  	_ =	shalt  }
0x5e: {  	_ =	shalt  }
0x5f: {  	_ =	shalt  }
0x60: {  	_ =	shalt  }
0x61: {  	_ =	shalt  }
0x62: {  	_ =	shalt  }
0x63: {  	_ =	shalt  }
0x64: {  	_ =	shalt  }
0x65: {  	_ =	shalt  }
0x66: {  	_ =	shalt  }
0x67: {  	_ =	shalt  }
0x68: {  	_ =	shalt  }
0x69: {  	_ =	shalt  }
0x6a: {  	_ =	shalt  }
0x6b: {  	_ =	shalt  }
0x6c: {  	_ =	shalt  }
0x6d: {  	_ =	shalt  }
0x6e: {  	_ =	shalt  }
0x6f: {  	_ =	shalt  }
0x70: {  	_ =	shalt  }
0x71: {  	_ =	shalt  }
0x72: {  	_ =	shalt  }
0x73: {  	_ =	shalt  }
0x74: {  	_ =	shalt  }
0x75: {  	_ =	shalt  }
0x76: {  	_ =	shalt  }
0x77: {  	_ =	shalt  }
0x78: {  	_ =	shalt  }
0x79: {  	_ =	shalt  }
0x7a: {  	_ =	shalt  }
0x7b: {  	_ =	shalt  }
0x7c: {  	_ =	shalt  }
0x7d: {  	_ =	shalt  }
0x7e: {  	_ =	shalt  }
0x7f: {  	_ =	shalt  }
0x80: {  	_ =	shalt  }
0x81: {  	_ =	shalt  }
0x82: {  	_ =	shalt  }
0x83: {  	_ =	shalt  }
0x84: {  	_ =	shalt  }
0x85: {  	_ =	shalt  }
0x86: {  	_ =	shalt  }
0x87: {  	_ =	shalt  }
.Lfunc_end0:
.L_simem_size_0:
called_computation_lowered:
.L_overlay_start_0:
0x88: {  	s2 =	sld [smem:$0x3FD9]  }
0x89: {  	s3 =	sld [smem:$0x3FFE];
	_ =	sdelay $0x1  }
0x8a: {  	s1 =	srdreg.scid  }
0x8b: {  	s0 =	sand.u32 $0x1, s1  }
0x8c: {  	s17 =	sshll.u32 s0, $0xA;
	s2 =	sadd.s32 s3, s2  }
0x8d: {  	s2 =	sadd.s32 s2, s17  }
0x8e: {  	[smem:$0x3FC4] =	sst s2  }
0x8f: {  	_ = 	snop  }
0x90: {  	s2 =	sld [smem:$0x3FC9]  }
0x91: {  	s18 =	sld [smem:$0x3FC7]  }
0x92: {  	s4 =	sld [smem:$0x3FC6]  }
0x93: {  	s5 =	sld [smem:$0x3FD0];
	(tm) =	ssettm $0x1  }
0x94: {  	s6 =	sld [smem:$0x3FFB];
	_ =	sdelay $0x3  }
0x95: {  	_ =	strace s6  }
0x96: {  	s6 =	sld [smem:$0x3FFC];
	_ =	sdelay $0x3  }
0x97: {  	_ =	strace s6  }
0x98: {  	s6 =	sld [smem:$0x3FFD];
	_ =	sdelay $0x3  }
0x99: {  	_ =	strace s6  }
0x9a: {  	_ =	strace $0x8FFFFFFF  }
0x9b: {  	s19 =	sld [smem:$0x3FDB];
	_ =	sdelay $0x1  }
0x9c: {  	s7 =	simm.s32 $_scs_section_size  }
0x9d: {  	s8 =	simm.s32 $_size__tile_overlayer_lowered;
	s9 =	simm.s32 $_tile_overlayer_lowered  }
0x9e: {  	s22 =	simm.s32 $0x1BFF;
	s21 =	sshll.u32 s9, $0x1;
	s6 =	sadd.s32 s7, s19  }
0x9f: {  	s10 =	simm.s32 $0x0;
	s20 =	sshll.u32 s8, $0x1;
	s8 =	sadd.s32 s21, s6  }
0xa0: {  	[timem:s10], [sflag:s22] =	dma.local [hbm:s8], s20  }
0xa1: {  	_ =	swait.ge [sflag:s22], s20  }
0xa2: {  	s7 =	ssub.s32 $0x0, s20;
	[sflag:s22] =	ssyncset.done $0x0  }
0xa3: {  	[sflag:s22] =	ssyncadd.s32 s7;
	_ =	sdelay $0x1  }
0xa4: {  	s23 =	simm.s32 $0x1B8B  }
0xa5: {  	_ =	swait.ge [sflag:s23], $0x1  }
0xa6: {  	[sflag:s23] =	ssyncset.done $0x0  }
0xa7: {  	s25 =	simm.s32 $0x1B8E;
	s24 =	sld [smem:$0x3FFE];
	[sflag:s23] =	ssyncadd.s32 $0xFFFFFFFF  }
0xa8: {  	s26 =	simm.s32 $execute0_lowered;
	[smem:$0x3FD2] =	sst s25  }
0xa9: {  	s8 =	sshll.u32 s26, $0x1;
	_ =	strace $0x80000046;
	[dreg:$0x1] =	wrdreg $0xFFFFFFFF  }
0xaa: {  	s28 =	simm.s32 $_size_execute0_lowered;
	s6 =	sadd.s32 s6, s8;
	[dreg:$0x0] =	wrdreg $0x0  }
0xab: {  	s8 =	sshll.u32 s28, $0x1;
	[dreg:$0x2] =	wrdreg s6  }
0xac: {  	[dreg:$0x3] =	wrdreg s8  }
0xad: {  	[dreg:$0x4] =	wrdreg $0xC0  }
0xae: {  	_ =	task [dreg:s10], $0x5FFFF  }
0xaf: {  	[dreg:$0x1] =	wrdreg $0xFFFFFFFF  }
0xb0: {  	[dreg:$0x0] =	wrdreg $0x60  }
0xb1: {  	[dreg:$0x2] =	wrdreg s2  }
0xb2: {  	[dreg:$0x3] =	wrdreg s24  }
0xb3: {  	[dreg:$0x4] =	wrdreg s18  }
0xb4: {  	[dreg:$0x5] =	wrdreg s4  }
0xb5: {  	[dreg:$0x6] =	wrdreg s5  }
0xb6: {  	[dreg:$0x7] =	wrdreg $0x9  }
0xb7: {  	_ =	task.clear_ibuf [dreg:s10], $0x8FFFF;
	_ =	strace $0x90000046  }
0xb8: {  	s29 =	simm.s32 $0x9;
	_ =	strace $0x80000048  }
0xb9: {  	_ =	swait.ge [sflag:s29], $0x1  }
0xba: {  	[sflag:s29] =	ssyncadd.s32 $0xFFFFFFFF  }
0xbb: {  	_ =	strace $0x90000048  }
0xbc: {  	_ =	sfence  }
0xbd: {  	s30 =	sld [smem:$0x0];
	_ =	sdelay $0x2  }
0xbe: {  	s31 =	sshll.u32 s1, $0xD;
	s1 =	sshrl.u32 s1, $0x2  }
0xbf: {  	s3 =	sand.u32 $0x4000, s31;
	s1 =	sadd.s32 s1, s30  }
0xc0: {  	s0 =	sor.u32 s3, s0;
	s1 =	sshll.u32 s1, $0x11  }
0xc1: {  	s0 =	sor.u32 s1, s0  }
0xc2: {  	s0 =	sadd.s32 $0x8F2B, s0  }
0xc3: {  	[sflag:s0] =	ssyncadd.remote.s32 $0x1  }
0xc4: {  	_ =	sfence.sel $0xFFFF  }
0xc5: {  	[dreg:$0x0] =	wrdreg $0xFFFFFFFF;
	(pc) =	sbr.abs _section_cstart, $3  }
0xc6: {  	[dreg:$0x1] =	wrdreg $0xFFFFFFFF  }
0xc7: {  	_ =	task.clear_ibuf [dreg:s10], $0x2FFFF;
	_ =	strace $0x9FFFFFFF  }
0xc8: {  	(tm) =	ssettm $0x7FFFFFFF  }
0xc9: {  	_ =	shalt  }
tec
execute0_lowered:
.L_overlay_start_1:
0x0: {  	(tag) =	ssettag $0x1  }
0x1: {  	s5 =	rddreg [dreg:$0x0]  }
0x2: {  	s6 =	rddreg [dreg:$0x1]  }
0x3: {  	s1 =	rddreg [dreg:$0x2]  }
0x4: {  	s3 =	rddreg [dreg:$0x3];
	s2 =	srdreg.scid  }
0x5: {  	s0 =	stileid.u32;
	s7 =	rddreg [dreg:$0x4];
	s4 =	simm.s32 $0x0  }
0x6: {  	s13 =	simm.s32 $0x6400;
	s8 =	sand.u32 $0x1, s2;
	s9 =	sshll.u32 s0, $0x1  }
0x7: {  	s14 =	simm.s32 $0x0;
	s2 =	rddreg [dreg:$0x5];
	s9 =	sor.u32 s8, s9  }
0x8: {  	[smem:$0x7FF] =	sst s4;
	s8 =	ssub.s32 $0x2, s8;
	s10 =	smul.u32 $0x640, s9  }
.Ltmp0:
0x9: {  	_ =	strace $0x80000047;
	s11 =	sshrl.u32 s8, $0x1;
	(pc) =	sbr.rel .LBB2_1-.Ltmp0, $4  }
0xa: {  	s12 =	smul.u32 $0x680, s9;
	p0 =	sgt.u32 s9, $0x18;
	s9 =	simm.s32 $0x9600  }
0xb: {  	s8 =	ssub.s32 s8, s11;
	s11 =	simm.s32 $0x9800;
	s6 =	sadd.s32 s10, s6  }
0xc: {  	s5 =	sadd.s32 s5, s10;
	s7 =	sadd.s32 s7, s12;
	s8 =	smax.u32 s8, $0x1  }
0xd: {  	s10 =	simm.s32 $0x1;
	s12 =	simm.s32 $0x3200;
	s6 =	sadd.s32 $0x200, s6  }
.LBB2_4:
0xe: {  	v3 =	vld [tilespmem:s16+$0x0];
	_ =	sdelay $0x1  }
0xf: {  	v0 =	vmul.f32 v1, v0;
	_ =	sdelay $0x1  }
0x10: {  	v0 =	vadd.f32 v0, v2;
	_ =	sdelay $0x1  }
0x11: {  	[tilespmem:s15+$0x6400] =	vst v0  }
0x12: {  	v62 =	vld [tilespmem:s16+$0x3200]  }
0x13: {  	v0 =	vld.idx.msk [tilespmem:v3+s9+$0x0], $0xffff;
	_ =	sdelay $0x1  }
0x14: {  	v63 =	vld.idx.msk [tilespmem:v3+s11+$0x0], $0xffff;
	_ =	sdelay $0x2  }
0x15: {  	v0 =	vmul.f32 v62, v0;
	_ =	sdelay $0x1  }
0x16: {  	v0 =	vadd.f32 v0, v63;
	_ =	sdelay $0x1  }
0x17: {  	[tilespmem:s16+$0x6400] =	vst v0  }
0x18: {  	[hbm4b:s7+s4] =	stream.linear.scatter [tilespmem:s13], [sflag:$0x1], $0x3200, $0x38;
	[tilespmem:$0x9A00] =	vst v63  }
0x19: {  	_ =	swait.ge [sflag:s10], $0x3200  }
0x1a: {  	[sflag:s10] =	ssyncset.done $0x0  }
0x1b: {  	[sflag:s10] =	ssyncadd.s32 $0xFFFFCE00  }
.LBB2_5:
0x1c: {  	s14 =	sadd.s32 $0x1, s14  }
0x1d: {  	p1 =	sne.s32 s14, s8  }
.Ltmp1:
0x1e: {  	_ = 	snop;
	(pc) =	sbr.rel @!p1 .LBB2_6-.Ltmp1, $1  }
0x1f: {  	_ =	sdelay $0x3  }
.LBB2_1:
0x20: {  	[tilespmem:s9], [sflag:$0x1] =	stream.linear.gather [hbm4b:s1+s4], $0x200, $0x38;
	[tilespmem:$0x9A00] =	vst v63  }
0x21: {  	_ =	swait.ge [sflag:s10], $0x200  }
0x22: {  	[sflag:s10] =	ssyncset.done $0x0  }
.Ltmp2:
0x23: {  	[sflag:s10] =	ssyncadd.s32 $0xFFFFFE00;
	(pc) =	sbr.rel @p0 .LBB2_5-.Ltmp2, $4  }
0x24: {  	[tilespmem:s11], [sflag:$0x1] =	stream.linear.gather [hbm4b:s3+s4], $0x200, $0x38;
	[tilespmem:$0x9A00] =	vst v63  }
0x25: {  	_ =	swait.ge [sflag:s10], $0x200  }
0x26: {  	[sflag:s10] =	ssyncset.done $0x0  }
0x27: {  	[sflag:s10] =	ssyncadd.s32 $0xFFFFFE00  }
0x28: {  	s15 =	simm.s32 $0x0  }
0x29: {  	[tilespmem:s15], [sflag:$0x1] =	stream.linear.gather [hbm4b:s5+s15], $0x3200, $0x38;
	[tilespmem:$0x9A00] =	vst v63  }
0x2a: {  	_ =	swait.ge [sflag:s10], $0x3200  }
0x2b: {  	[sflag:s10] =	ssyncset.done $0x0  }
0x2c: {  	[sflag:s10] =	ssyncadd.s32 $0xFFFFCE00  }
0x2d: {  	[tilespmem:s12], [sflag:$0x1] =	stream.linear.gather [hbm4b:s6+s15], $0x3200, $0x38;
	[tilespmem:$0x9A00] =	vst v63  }
0x2e: {  	_ =	swait.ge [sflag:s10], $0x3200  }
0x2f: {  	[sflag:s10] =	ssyncset.done $0x0  }
0x30: {  	s15 =	simm.s32 $0x0;
	[sflag:s10] =	ssyncadd.s32 $0xFFFFCE00  }
0x31: {  	v2 =	vld [tilespmem:s15+$0x0];
	_ =	sdelay $0x6  }
0x32: {  	v1 =	vld [tilespmem:s15+$0x3200]  }
0x33: {  	v0 =	vld.idx.msk [tilespmem:v2+s9+$0x0], $0xffff  }
0x34: {  	s16 =	simm.s32 $0x10;
	s17 =	simm.s32 $0x80;
	v2 =	vld.idx.msk [tilespmem:v2+s11+$0x0], $0xffff  }
.LBB2_3:
0x35: {  	p1 =	sne.s32 s17, $0xC7C0;
	v3 =	vld [tilespmem:s16+$0x0];
	_ =	sdelay $0x2  }
0x36: {  	v0 =	vmul.f32 v1, v0;
	_ =	sdelay $0x1  }
0x37: {  	v0 =	vadd.f32 v0, v2  }
.Ltmp3:
0x38: {  	(pc) =	sbr.rel @p1 .LBB2_3-.Ltmp3, $4  }
0x39: {  	[tilespmem:s15+$0x6400] =	vst v0;
	s15 =	smov.u32 s16  }
0x3a: {  	v0 =	vld.idx.msk [tilespmem:v3+s9+$0x0], $0xffff  }
0x3b: {  	v1 =	vld [tilespmem:s15+$0x3200]  }
0x3c: {  	s16 =	sshra.s32 s17, $0x2;
	s17 =	sadd.s32 $0x40, s17;
	v2 =	vld.idx.msk [tilespmem:v3+s11+$0x0], $0xffff  }
.Ltmp4:
0x3d: {  	_ = 	snop;
	(pc) =	sbr.rel .LBB2_4-.Ltmp4, $1  }
0x3e: {  	_ =	sdelay $0x3  }
.LBB2_6:
0x3f: {  	_ =	sfence.sel $0x180000  }
0x40: {  	[bflag:$0x0] =	sbarrier.arrive $0xFFFF  }
0x41: {  	p0 =	sne.s32 s0, $0x0;
	_ =	strace $0x90000047  }
0x42: {  	s0 =	sadd.s32 @!p0 $0x100000, s2;
	[bflag:$0x2] =	sbarrier.arrive $0xFFFF  }
0x43: {  	[sflag:s0] =	ssyncadd.tile.s32 @!p0 $0x1;
	_ =	shalt  }
.Lfunc_end2:
_tile_overlayer_lowered:
.L_overlay_start_2:
0x44: {  	(tag) =	ssettag $0x2  }
0x45: {  	s0 =	rddreg [dreg:$0x0];
	s2 =	stileid.u32  }
0x46: {  	s1 =	rddreg [dreg:$0x1];
	p0 =	sne.s32 s2, $0x0  }
0x47: {  	s3 =	rddreg [dreg:$0x2];
	[bflag:$0x3] =	sbarrier.arrive $0xFFFF;
	s2 =	simm.s32 @!p0 $0x1C01  }
0x48: {  	[timem:s3], [sflag:s2] =	dma.local @!p0 [hbm:s0], s1  }
0x49: {  	s0 =	simm.s32 @!p0 $0x1  }
0x4a: {  	_ =	swait.ge @!p0 [sflag:s0], s1  }
0x4b: {  	s1 =	ssub.s32 @!p0 $0x0, s1;
	[sflag:s0] =	ssyncset.done @!p0 $0x0  }
0x4c: {  	[sflag:s0] =	ssyncadd.s32 @!p0 s1  }
0x4d: {  	[bflag:$0x3] =	sbarrier.arrive $0xFFFF  }
0x4e: {  	_ =	shalt  }

</sc_bundles>
